<compile_context>
chip_gen: v7x
topology: tpu7x:2x2x1
jax: 0.10.2.dev20260603
libtpu: 0.0.44.dev20260713+nightly
codegen_flags: <defaults>
</compile_context>

<pallas_src>
import dataclasses
import functools

import jax
import jax.numpy as jnp
from jax import lax
from jax.experimental import pallas as pl
from jax.experimental.pallas import tpu as pltpu
from jax.experimental.pallas import tpu_sc as plsc

_LAYERS = 64
_BRANCHES = 8
_LANES = 16
_TILES = _LAYERS // _LANES
_SLICE = _LANES * _BRANCHES


def _log_1_to_8(s):
    bits = plsc.bitcast(s, jnp.int32)
    e = lax.shift_right_logical(bits, 23) - 127
    mant = plsc.bitcast(
        lax.bitwise_or(lax.bitwise_and(bits, 0x7FFFFF), 0x3F800000),
        jnp.float32)
    big = mant > 1.4142135
    mant = jnp.where(big, mant * 0.5, mant)
    e = e + jnp.where(big, 1, 0)
    r = (mant - 1.0) / (mant + 1.0)
    r2 = r * r
    poly = 2.0 * r * (1.0 + r2 * (0.33333333 + r2 * (0.2 + r2 * (0.14285714
                      + r2 * 0.11111111))))
    return e.astype(jnp.float32) * 0.69314718 + poly


def _sc_body(a_hbm, g_hbm, arc_hbm, lp_hbm, ent_hbm,
             a_v, g_v, arc_v, lp_v, ent_v):
    wid = lax.axis_index("s") * 2 + lax.axis_index("c")

    @pl.when(wid < _TILES)
    def _():
        base = wid * _SLICE
        pltpu.sync_copy(a_hbm.at[pl.ds(base, _SLICE)], a_v)
        pltpu.sync_copy(g_hbm.at[pl.ds(base, _SLICE)], g_v)

        lane = lax.broadcasted_iota(jnp.int32, (_LANES,), 0) * _BRANCHES
        a = [plsc.load_gather(a_v, [lane + b]) for b in range(_BRANCHES)]
        g = [plsc.load_gather(g_v, [lane + b]) for b in range(_BRANCHES)]

        m = a[0]
        for b in range(1, _BRANCHES):
            m = jnp.maximum(m, a[b])
        x = [a[b] - m for b in range(_BRANCHES)]

        best_key = a[0] + g[0]
        best_idx = jnp.full((_LANES,), 0, jnp.int32)
        best_x = x[0]
        for b in range(1, _BRANCHES):
            key = a[b] + g[b]
            take = key > best_key
            best_key = jnp.where(take, key, best_key)
            best_idx = jnp.where(take, b, best_idx)
            best_x = jnp.where(take, x[b], best_x)

        e0 = [jnp.exp(xb) for xb in x]
        s = e0[0]
        t = e0[0] * x[0]
        for b in range(1, _BRANCHES):
            s = s + e0[b]
            t = t + e0[b] * x[b]
        ln_s = _log_1_to_8(s)

        arc_v[...] = best_idx
        lp_v[...] = best_x - ln_s
        ent_v[...] = ln_s - t / s

        out = wid * _LANES
        pltpu.sync_copy(arc_v, arc_hbm.at[pl.ds(out, _LANES)])
        pltpu.sync_copy(lp_v, lp_hbm.at[pl.ds(out, _LANES)])
        pltpu.sync_copy(ent_v, ent_hbm.at[pl.ds(out, _LANES)])


@jax.jit
def kernel(alpha, gumbel):
    a = alpha.reshape(_LAYERS * _BRANCHES)
    g = gumbel.reshape(_LAYERS * _BRANCHES)
    mesh = plsc.VectorSubcoreMesh(core_axis_name="c", subcore_axis_name="s")
    cp = pltpu.CompilerParams()
    if "needs_layout_passes" in pltpu.CompilerParams.__dataclass_fields__:
        cp = dataclasses.replace(cp, needs_layout_passes=False)
    fn = pl.kernel(
        _sc_body,
        out_type=(
            jax.ShapeDtypeStruct((_LAYERS,), jnp.int32),
            jax.ShapeDtypeStruct((_LAYERS,), jnp.float32),
            jax.ShapeDtypeStruct((_LAYERS,), jnp.float32),
        ),
        mesh=mesh,
        scratch_types=[
            pltpu.VMEM((_SLICE,), jnp.float32),
            pltpu.VMEM((_SLICE,), jnp.float32),
            pltpu.VMEM((_LANES,), jnp.int32),
            pltpu.VMEM((_LANES,), jnp.float32),
            pltpu.VMEM((_LANES,), jnp.float32),
        ],
        compiler_params=cp,
    )
    arcs, lp, ent = fn(a, g)
    return (arcs.reshape(1, _LAYERS),
            lp.reshape(1, _LAYERS),
            ent.reshape(1, _LAYERS))

# --- scband reference (transcript-rebuilt; emitter-appended) ---
"""Pipeline reference for scband-paganrlcontroller-alpha-74560632259356 (READ-ONLY COPY).

The authoritative reference and input builder live on the scoring server;
editing this copy changes nothing except your own understanding.
"""

import jax, jax.numpy as jnp
import numpy as np

NUM_LAYERS = 64
NUM_BRANCHES = 8


def setup_inputs(seed: int = 0) -> dict:
    key = jax.random.key(seed)
    k1, k2 = jax.random.split(key)
    # learned parameters: nn.ParameterList of num_layers tensors, each [1, num_branches],
    # initialized as 0.0001 * randn. Stacked here as [L, 1, B].
    alpha = 0.0001 * jax.random.normal(k1, (NUM_LAYERS, 1, NUM_BRANCHES), dtype=jnp.float32)
    # gumbel noise makes the Categorical.sample() deterministic given inputs
    # (gumbel-max trick: argmax(logits + gumbel) ~ Categorical(logits))
    gumbel = jax.random.gumbel(k2, (NUM_LAYERS, 1, NUM_BRANCHES), dtype=jnp.float32)
    return {"alpha": alpha, "gumbel": gumbel}


def reference(alpha, gumbel):
    # per-layer Categorical(logits=alpha[l]) over num_branches ops
    logp = jax.nn.log_softmax(alpha, axis=-1)              # [L, 1, B]
    p = jax.nn.softmax(alpha, axis=-1)                      # [L, 1, B]
    # sample: gumbel-max trick == Categorical.sample()
    sampled = jnp.argmax(alpha + gumbel, axis=-1)           # [L, 1]
    # log_prob of sampled op
    log_prob = jnp.take_along_axis(logp, sampled[..., None], axis=-1)[..., 0]  # [L, 1]
    # entropy of each layer's distribution
    entropy = -jnp.sum(p * logp, axis=-1)                   # [L, 1]
    # torch: sampled_arcs = cat([op.view(-1,1) for each layer], dim=1) -> [1, L]
    sampled_arcs = jnp.transpose(sampled).astype(jnp.int32)     # [1, L]
    sample_log_prob = jnp.transpose(log_prob)                   # [1, L]
    sample_entropy = jnp.transpose(entropy)                     # [1, L]
    # forward() returns sampled_arcs; log_prob and entropy are stored on self
    # for the REINFORCE loss, so we expose all three.
    return (sampled_arcs, sample_log_prob, sample_entropy)

if __name__ == "__main__":
    import jax
    _d = setup_inputs()
    print(jax.jit(kernel)(*tuple(_d.values())))

</pallas_src>

<mosaic_0001>
#map = affine_map<(d0, d1) -> (0)>
module attributes {stable_mosaic.version = 14 : i64} {
  func.func @_sc_body(%arg0: i32, %arg1: i32, %arg2: memref<512xf32, #tpu.memory_space<hbm>>, %arg3: memref<512xf32, #tpu.memory_space<hbm>>, %arg4: memref<64xi32, #tpu.memory_space<hbm>>, %arg5: memref<64xf32, #tpu.memory_space<hbm>>, %arg6: memref<64xf32, #tpu.memory_space<hbm>>, %arg7: memref<128xf32, #tpu.memory_space<vmem>>, %arg8: memref<128xf32, #tpu.memory_space<vmem>>, %arg9: memref<16xi32, #tpu.memory_space<vmem>>, %arg10: memref<16xf32, #tpu.memory_space<vmem>>, %arg11: memref<16xf32, #tpu.memory_space<vmem>>) attributes {dimension_semantics = [#tpu.dimension_semantics<core_parallel>, #tpu.dimension_semantics<subcore_parallel>], iteration_bounds = array<i64: 2, 16>, scalar_prefetch = 0 : i64, scratch_operands = 5 : i64, tpu.core_type = #tpu.core_type<sc_vector_subcore>, window_params = [{transform_indices = #map}, {transform_indices = #map}, {transform_indices = #map}, {transform_indices = #map}, {transform_indices = #map}]} {
    %mul3A = arith.constant 2 : i32
    %mul3A_0 = arith.muli %arg1, %mul3A : i32
    %add3A = arith.addi %mul3A_0, %arg0 : i32
    %lt3A = arith.constant 4 : i32
    %lt3A_1 = arith.cmpi slt, %add3A, %lt3A : i32
    %convert_element_type3A = arith.extui %lt3A_1 : i1 to i32
    %cond3A = arith.constant 0 : i32
    %cond3A_2 = arith.cmpi ne, %convert_element_type3A, %cond3A : i32
    scf.if %cond3A_2 {
      %mul3A_3 = arith.constant 128 : i32
      %mul3A_4 = arith.muli %add3A, %mul3A_3 : i32
      "tpu.region"() ({
        %run_scoped3A = tpu.sem_alloc : memref<!tpu.dma_semaphore, #tpu.memory_space<semaphore_mem>>
        %dma_start3A = tpu.memref_slice %arg2[%mul3A_4] : memref<512xf32, #tpu.memory_space<hbm>> -> memref<128xf32, #tpu.memory_space<hbm>>
        %dma_start3A_228 = tpu.memref_slice %arg2[%mul3A_4] : memref<512xf32, #tpu.memory_space<hbm>> -> memref<128xf32, #tpu.memory_space<hbm>>
        tpu.enqueue_dma source(%dma_start3A_228 : memref<128xf32, #tpu.memory_space<hbm>>) target(%arg7 : memref<128xf32, #tpu.memory_space<vmem>>) target_semaphore(%run_scoped3A : memref<!tpu.dma_semaphore, #tpu.memory_space<semaphore_mem>>)
        %dma_wait3A = tpu.memref_slice %arg2[%mul3A_4] : memref<512xf32, #tpu.memory_space<hbm>> -> memref<128xf32, #tpu.memory_space<hbm>>
        %dma_wait3A_229 = tpu.memref_slice %arg2[%mul3A_4] : memref<512xf32, #tpu.memory_space<hbm>> -> memref<128xf32, #tpu.memory_space<hbm>>
        tpu.wait_dma2 semaphore(%run_scoped3A : memref<!tpu.dma_semaphore, #tpu.memory_space<semaphore_mem>>) src(%dma_wait3A_229 : memref<128xf32, #tpu.memory_space<hbm>>) dst(%arg7 : memref<128xf32, #tpu.memory_space<vmem>>)
        tpu.yield
      }) : () -> ()
      "tpu.region"() ({
        %run_scoped3A = tpu.sem_alloc : memref<!tpu.dma_semaphore, #tpu.memory_space<semaphore_mem>>
        %dma_start3A = tpu.memref_slice %arg3[%mul3A_4] : memref<512xf32, #tpu.memory_space<hbm>> -> memref<128xf32, #tpu.memory_space<hbm>>
        %dma_start3A_228 = tpu.memref_slice %arg3[%mul3A_4] : memref<512xf32, #tpu.memory_space<hbm>> -> memref<128xf32, #tpu.memory_space<hbm>>
        tpu.enqueue_dma source(%dma_start3A_228 : memref<128xf32, #tpu.memory_space<hbm>>) target(%arg8 : memref<128xf32, #tpu.memory_space<vmem>>) target_semaphore(%run_scoped3A : memref<!tpu.dma_semaphore, #tpu.memory_space<semaphore_mem>>)
        %dma_wait3A = tpu.memref_slice %arg3[%mul3A_4] : memref<512xf32, #tpu.memory_space<hbm>> -> memref<128xf32, #tpu.memory_space<hbm>>
        %dma_wait3A_229 = tpu.memref_slice %arg3[%mul3A_4] : memref<512xf32, #tpu.memory_space<hbm>> -> memref<128xf32, #tpu.memory_space<hbm>>
        tpu.wait_dma2 semaphore(%run_scoped3A : memref<!tpu.dma_semaphore, #tpu.memory_space<semaphore_mem>>) src(%dma_wait3A_229 : memref<128xf32, #tpu.memory_space<hbm>>) dst(%arg8 : memref<128xf32, #tpu.memory_space<vmem>>)
        tpu.yield
      }) : () -> ()
      %iota3A = tpu.iota {dimensions = array<i32: 0>} : vector<16xi32>
      %mul3A_5 = arith.constant 8 : i32
      %mul3A_6 = vector.broadcast %mul3A_5 : i32 to vector<16xi32>
      %mul3A_7 = arith.muli %iota3A, %mul3A_6 : vector<16xi32>
      %add3A_8 = arith.constant 0 : i32
      %add3A_9 = vector.broadcast %add3A_8 : i32 to vector<16xi32>
      %add3A_10 = arith.addi %mul3A_7, %add3A_9 : vector<16xi32>
      %gather3A = tpu.vector_load_idx %arg7[%add3A_10] : memref<128xf32, #tpu.memory_space<vmem>>[vector<16xi32>], vector<16xf32>,
      %add3A_11 = arith.constant 1 : i32
      %add3A_12 = vector.broadcast %add3A_11 : i32 to vector<16xi32>
      %add3A_13 = arith.addi %mul3A_7, %add3A_12 : vector<16xi32>
      %gather3A_14 = tpu.vector_load_idx %arg7[%add3A_13] : memref<128xf32, #tpu.memory_space<vmem>>[vector<16xi32>], vector<16xf32>,
      %add3A_15 = arith.constant 2 : i32
      %add3A_16 = vector.broadcast %add3A_15 : i32 to vector<16xi32>
      %add3A_17 = arith.addi %mul3A_7, %add3A_16 : vector<16xi32>
      %gather3A_18 = tpu.vector_load_idx %arg7[%add3A_17] : memref<128xf32, #tpu.memory_space<vmem>>[vector<16xi32>], vector<16xf32>,
      %add3A_19 = arith.constant 3 : i32
      %add3A_20 = vector.broadcast %add3A_19 : i32 to vector<16xi32>
      %add3A_21 = arith.addi %mul3A_7, %add3A_20 : vector<16xi32>
      %gather3A_22 = tpu.vector_load_idx %arg7[%add3A_21] : memref<128xf32, #tpu.memory_space<vmem>>[vector<16xi32>], vector<16xf32>,
      %add3A_23 = arith.constant 4 : i32
      %add3A_24 = vector.broadcast %add3A_23 : i32 to vector<16xi32>
      %add3A_25 = arith.addi %mul3A_7, %add3A_24 : vector<16xi32>
      %gather3A_26 = tpu.vector_load_idx %arg7[%add3A_25] : memref<128xf32, #tpu.memory_space<vmem>>[vector<16xi32>], vector<16xf32>,
      %add3A_27 = arith.constant 5 : i32
      %add3A_28 = vector.broadcast %add3A_27 : i32 to vector<16xi32>
      %add3A_29 = arith.addi %mul3A_7, %add3A_28 : vector<16xi32>
      %gather3A_30 = tpu.vector_load_idx %arg7[%add3A_29] : memref<128xf32, #tpu.memory_space<vmem>>[vector<16xi32>], vector<16xf32>,
      %add3A_31 = arith.constant 6 : i32
      %add3A_32 = vector.broadcast %add3A_31 : i32 to vector<16xi32>
      %add3A_33 = arith.addi %mul3A_7, %add3A_32 : vector<16xi32>
      %gather3A_34 = tpu.vector_load_idx %arg7[%add3A_33] : memref<128xf32, #tpu.memory_space<vmem>>[vector<16xi32>], vector<16xf32>,
      %add3A_35 = arith.constant 7 : i32
      %add3A_36 = vector.broadcast %add3A_35 : i32 to vector<16xi32>
      %add3A_37 = arith.addi %mul3A_7, %add3A_36 : vector<16xi32>
      %gather3A_38 = tpu.vector_load_idx %arg7[%add3A_37] : memref<128xf32, #tpu.memory_space<vmem>>[vector<16xi32>], vector<16xf32>,
      %add3A_39 = arith.constant 0 : i32
      %add3A_40 = vector.broadcast %add3A_39 : i32 to vector<16xi32>
      %add3A_41 = arith.addi %mul3A_7, %add3A_40 : vector<16xi32>
      %gather3A_42 = tpu.vector_load_idx %arg8[%add3A_41] : memref<128xf32, #tpu.memory_space<vmem>>[vector<16xi32>], vector<16xf32>,
      %add3A_43 = arith.constant 1 : i32
      %add3A_44 = vector.broadcast %add3A_43 : i32 to vector<16xi32>
      %add3A_45 = arith.addi %mul3A_7, %add3A_44 : vector<16xi32>
      %gather3A_46 = tpu.vector_load_idx %arg8[%add3A_45] : memref<128xf32, #tpu.memory_space<vmem>>[vector<16xi32>], vector<16xf32>,
      %add3A_47 = arith.constant 2 : i32
      %add3A_48 = vector.broadcast %add3A_47 : i32 to vector<16xi32>
      %add3A_49 = arith.addi %mul3A_7, %add3A_48 : vector<16xi32>
      %gather3A_50 = tpu.vector_load_idx %arg8[%add3A_49] : memref<128xf32, #tpu.memory_space<vmem>>[vector<16xi32>], vector<16xf32>,
      %add3A_51 = arith.constant 3 : i32
      %add3A_52 = vector.broadcast %add3A_51 : i32 to vector<16xi32>
      %add3A_53 = arith.addi %mul3A_7, %add3A_52 : vector<16xi32>
      %gather3A_54 = tpu.vector_load_idx %arg8[%add3A_53] : memref<128xf32, #tpu.memory_space<vmem>>[vector<16xi32>], vector<16xf32>,
      %add3A_55 = arith.constant 4 : i32
      %add3A_56 = vector.broadcast %add3A_55 : i32 to vector<16xi32>
      %add3A_57 = arith.addi %mul3A_7, %add3A_56 : vector<16xi32>
      %gather3A_58 = tpu.vector_load_idx %arg8[%add3A_57] : memref<128xf32, #tpu.memory_space<vmem>>[vector<16xi32>], vector<16xf32>,
      %add3A_59 = arith.constant 5 : i32
      %add3A_60 = vector.broadcast %add3A_59 : i32 to vector<16xi32>
      %add3A_61 = arith.addi %mul3A_7, %add3A_60 : vector<16xi32>
      %gather3A_62 = tpu.vector_load_idx %arg8[%add3A_61] : memref<128xf32, #tpu.memory_space<vmem>>[vector<16xi32>], vector<16xf32>,
      %add3A_63 = arith.constant 6 : i32
      %add3A_64 = vector.broadcast %add3A_63 : i32 to vector<16xi32>
      %add3A_65 = arith.addi %mul3A_7, %add3A_64 : vector<16xi32>
      %gather3A_66 = tpu.vector_load_idx %arg8[%add3A_65] : memref<128xf32, #tpu.memory_space<vmem>>[vector<16xi32>], vector<16xf32>,
      %add3A_67 = arith.constant 7 : i32
      %add3A_68 = vector.broadcast %add3A_67 : i32 to vector<16xi32>
      %add3A_69 = arith.addi %mul3A_7, %add3A_68 : vector<16xi32>
      %gather3A_70 = tpu.vector_load_idx %arg8[%add3A_69] : memref<128xf32, #tpu.memory_space<vmem>>[vector<16xi32>], vector<16xf32>,
      %max3A = arith.maximumf %gather3A, %gather3A_14 : vector<16xf32>
      %max3A_71 = arith.maximumf %max3A, %gather3A_18 : vector<16xf32>
      %max3A_72 = arith.maximumf %max3A_71, %gather3A_22 : vector<16xf32>
      %max3A_73 = arith.maximumf %max3A_72, %gather3A_26 : vector<16xf32>
      %max3A_74 = arith.maximumf %max3A_73, %gather3A_30 : vector<16xf32>
      %max3A_75 = arith.maximumf %max3A_74, %gather3A_34 : vector<16xf32>
      %max3A_76 = arith.maximumf %max3A_75, %gather3A_38 : vector<16xf32>
      %sub3A = arith.subf %gather3A, %max3A_76 : vector<16xf32>
      %sub3A_77 = arith.subf %gather3A_14, %max3A_76 : vector<16xf32>
      %sub3A_78 = arith.subf %gather3A_18, %max3A_76 : vector<16xf32>
      %sub3A_79 = arith.subf %gather3A_22, %max3A_76 : vector<16xf32>
      %sub3A_80 = arith.subf %gather3A_26, %max3A_76 : vector<16xf32>
      %sub3A_81 = arith.subf %gather3A_30, %max3A_76 : vector<16xf32>
      %sub3A_82 = arith.subf %gather3A_34, %max3A_76 : vector<16xf32>
      %sub3A_83 = arith.subf %gather3A_38, %max3A_76 : vector<16xf32>
      %add3A_84 = arith.addf %gather3A, %gather3A_42 : vector<16xf32>
      %broadcast_in_dim3A = arith.constant 0 : i32
      %broadcast_in_dim3A_85 = vector.broadcast %broadcast_in_dim3A : i32 to vector<16xi32>
      %add3A_86 = arith.addf %gather3A_14, %gather3A_46 : vector<16xf32>
      %gt3A = arith.cmpf ogt, %add3A_86, %add3A_84 : vector<16xf32>
      %select_n3A = arith.select %gt3A, %add3A_86, %add3A_84 : vector<16xi1>, vector<16xf32>
      %jit3A = arith.constant 1 : i32
      %broadcast_in_dim3A_87 = vector.broadcast %jit3A : i32 to vector<16xi32>
      %select_n3A_88 = arith.select %gt3A, %broadcast_in_dim3A_87, %broadcast_in_dim3A_85 : vector<16xi1>, vector<16xi32>
      %select_n3A_89 = arith.select %gt3A, %sub3A_77, %sub3A : vector<16xi1>, vector<16xf32>
      %add3A_90 = arith.addf %gather3A_18, %gather3A_50 : vector<16xf32>
      %gt3A_91 = arith.cmpf ogt, %add3A_90, %select_n3A : vector<16xf32>
      %select_n3A_92 = arith.select %gt3A_91, %add3A_90, %select_n3A : vector<16xi1>, vector<16xf32>
      %jit3A_93 = arith.constant 2 : i32
      %broadcast_in_dim3A_94 = vector.broadcast %jit3A_93 : i32 to vector<16xi32>
      %select_n3A_95 = arith.select %gt3A_91, %broadcast_in_dim3A_94, %select_n3A_88 : vector<16xi1>, vector<16xi32>
      %select_n3A_96 = arith.select %gt3A_91, %sub3A_78, %select_n3A_89 : vector<16xi1>, vector<16xf32>
      %add3A_97 = arith.addf %gather3A_22, %gather3A_54 : vector<16xf32>
      %gt3A_98 = arith.cmpf ogt, %add3A_97, %select_n3A_92 : vector<16xf32>
      %select_n3A_99 = arith.select %gt3A_98, %add3A_97, %select_n3A_92 : vector<16xi1>, vector<16xf32>
      %jit3A_100 = arith.constant 3 : i32
      %broadcast_in_dim3A_101 = vector.broadcast %jit3A_100 : i32 to vector<16xi32>
      %select_n3A_102 = arith.select %gt3A_98, %broadcast_in_dim3A_101, %select_n3A_95 : vector<16xi1>, vector<16xi32>
      %select_n3A_103 = arith.select %gt3A_98, %sub3A_79, %select_n3A_96 : vector<16xi1>, vector<16xf32>
      %add3A_104 = arith.addf %gather3A_26, %gather3A_58 : vector<16xf32>
      %gt3A_105 = arith.cmpf ogt, %add3A_104, %select_n3A_99 : vector<16xf32>
      %select_n3A_106 = arith.select %gt3A_105, %add3A_104, %select_n3A_99 : vector<16xi1>, vector<16xf32>
      %jit3A_107 = arith.constant 4 : i32
      %broadcast_in_dim3A_108 = vector.broadcast %jit3A_107 : i32 to vector<16xi32>
      %select_n3A_109 = arith.select %gt3A_105, %broadcast_in_dim3A_108, %select_n3A_102 : vector<16xi1>, vector<16xi32>
      %select_n3A_110 = arith.select %gt3A_105, %sub3A_80, %select_n3A_103 : vector<16xi1>, vector<16xf32>
      %add3A_111 = arith.addf %gather3A_30, %gather3A_62 : vector<16xf32>
      %gt3A_112 = arith.cmpf ogt, %add3A_111, %select_n3A_106 : vector<16xf32>
      %select_n3A_113 = arith.select %gt3A_112, %add3A_111, %select_n3A_106 : vector<16xi1>, vector<16xf32>
      %jit3A_114 = arith.constant 5 : i32
      %broadcast_in_dim3A_115 = vector.broadcast %jit3A_114 : i32 to vector<16xi32>
      %select_n3A_116 = arith.select %gt3A_112, %broadcast_in_dim3A_115, %select_n3A_109 : vector<16xi1>, vector<16xi32>
      %select_n3A_117 = arith.select %gt3A_112, %sub3A_81, %select_n3A_110 : vector<16xi1>, vector<16xf32>
      %add3A_118 = arith.addf %gather3A_34, %gather3A_66 : vector<16xf32>
      %gt3A_119 = arith.cmpf ogt, %add3A_118, %select_n3A_113 : vector<16xf32>
      %select_n3A_120 = arith.select %gt3A_119, %add3A_118, %select_n3A_113 : vector<16xi1>, vector<16xf32>
      %jit3A_121 = arith.constant 6 : i32
      %broadcast_in_dim3A_122 = vector.broadcast %jit3A_121 : i32 to vector<16xi32>
      %select_n3A_123 = arith.select %gt3A_119, %broadcast_in_dim3A_122, %select_n3A_116 : vector<16xi1>, vector<16xi32>
      %select_n3A_124 = arith.select %gt3A_119, %sub3A_82, %select_n3A_117 : vector<16xi1>, vector<16xf32>
      %add3A_125 = arith.addf %gather3A_38, %gather3A_70 : vector<16xf32>
      %gt3A_126 = arith.cmpf ogt, %add3A_125, %select_n3A_120 : vector<16xf32>
      %select_n3A_127 = arith.select %gt3A_126, %add3A_125, %select_n3A_120 : vector<16xi1>, vector<16xf32>
      %jit3A_128 = arith.constant 7 : i32
      %broadcast_in_dim3A_129 = vector.broadcast %jit3A_128 : i32 to vector<16xi32>
      %select_n3A_130 = arith.select %gt3A_126, %broadcast_in_dim3A_129, %select_n3A_123 : vector<16xi1>, vector<16xi32>
      %select_n3A_131 = arith.select %gt3A_126, %sub3A_83, %select_n3A_124 : vector<16xi1>, vector<16xf32>
      %exp3A = math.exp %sub3A : vector<16xf32>
      %exp3A_132 = math.exp %sub3A_77 : vector<16xf32>
      %exp3A_133 = math.exp %sub3A_78 : vector<16xf32>
      %exp3A_134 = math.exp %sub3A_79 : vector<16xf32>
      %exp3A_135 = math.exp %sub3A_80 : vector<16xf32>
      %exp3A_136 = math.exp %sub3A_81 : vector<16xf32>
      %exp3A_137 = math.exp %sub3A_82 : vector<16xf32>
      %exp3A_138 = math.exp %sub3A_83 : vector<16xf32>
      %mul3A_139 = arith.mulf %exp3A, %sub3A : vector<16xf32>
      %add3A_140 = arith.addf %exp3A, %exp3A_132 : vector<16xf32>
      %mul3A_141 = arith.mulf %exp3A_132, %sub3A_77 : vector<16xf32>
      %add3A_142 = arith.addf %mul3A_139, %mul3A_141 : vector<16xf32>
      %add3A_143 = arith.addf %add3A_140, %exp3A_133 : vector<16xf32>
      %mul3A_144 = arith.mulf %exp3A_133, %sub3A_78 : vector<16xf32>
      %add3A_145 = arith.addf %add3A_142, %mul3A_144 : vector<16xf32>
      %add3A_146 = arith.addf %add3A_143, %exp3A_134 : vector<16xf32>
      %mul3A_147 = arith.mulf %exp3A_134, %sub3A_79 : vector<16xf32>
      %add3A_148 = arith.addf %add3A_145, %mul3A_147 : vector<16xf32>
      %add3A_149 = arith.addf %add3A_146, %exp3A_135 : vector<16xf32>
      %mul3A_150 = arith.mulf %exp3A_135, %sub3A_80 : vector<16xf32>
      %add3A_151 = arith.addf %add3A_148, %mul3A_150 : vector<16xf32>
      %add3A_152 = arith.addf %add3A_149, %exp3A_136 : vector<16xf32>
      %mul3A_153 = arith.mulf %exp3A_136, %sub3A_81 : vector<16xf32>
      %add3A_154 = arith.addf %add3A_151, %mul3A_153 : vector<16xf32>
      %add3A_155 = arith.addf %add3A_152, %exp3A_137 : vector<16xf32>
      %mul3A_156 = arith.mulf %exp3A_137, %sub3A_82 : vector<16xf32>
      %add3A_157 = arith.addf %add3A_154, %mul3A_156 : vector<16xf32>
      %add3A_158 = arith.addf %add3A_155, %exp3A_138 : vector<16xf32>
      %mul3A_159 = arith.mulf %exp3A_138, %sub3A_83 : vector<16xf32>
      %add3A_160 = arith.addf %add3A_157, %mul3A_159 : vector<16xf32>
      %bitcast3A = vector.bitcast %add3A_158 : vector<16xf32> to vector<16xi32>
      %shift_right_logical3A = arith.constant 23 : i32
      %shift_right_logical3A_161 = vector.broadcast %shift_right_logical3A : i32 to vector<16xi32>
      %shift_right_logical3A_162 = arith.shrui %bitcast3A, %shift_right_logical3A_161 : vector<16xi32>
      %sub3A_163 = arith.constant 127 : i32
      %sub3A_164 = vector.broadcast %sub3A_163 : i32 to vector<16xi32>
      %sub3A_165 = arith.subi %shift_right_logical3A_162, %sub3A_164 : vector<16xi32>
      %and3A = arith.constant 8388607 : i32
      %and3A_166 = vector.broadcast %and3A : i32 to vector<16xi32>
      %and3A_167 = arith.andi %bitcast3A, %and3A_166 : vector<16xi32>
      %or3A = arith.constant 1065353216 : i32
      %or3A_168 = vector.broadcast %or3A : i32 to vector<16xi32>
      %or3A_169 = arith.ori %and3A_167, %or3A_168 : vector<16xi32>
      %bitcast3A_170 = vector.bitcast %or3A_169 : vector<16xi32> to vector<16xf32>
      %gt3A_171 = arith.constant 1.41421354 : f32
      %gt3A_172 = vector.broadcast %gt3A_171 : f32 to vector<16xf32>
      %gt3A_173 = arith.cmpf ogt, %bitcast3A_170, %gt3A_172 : vector<16xf32>
      %mul3A_174 = arith.constant 5.000000e-01 : f32
      %mul3A_175 = vector.broadcast %mul3A_174 : f32 to vector<16xf32>
      %mul3A_176 = arith.mulf %bitcast3A_170, %mul3A_175 : vector<16xf32>
      %select_n3A_177 = arith.select %gt3A_173, %mul3A_176, %bitcast3A_170 : vector<16xi1>, vector<16xf32>
      %jit3A_178 = arith.constant 1 : i32
      %jit3A_179 = arith.constant 0 : i32
      %broadcast_in_dim3A_180 = vector.broadcast %jit3A_178 : i32 to vector<16xi32>
      %broadcast_in_dim3A_181 = vector.broadcast %jit3A_179 : i32 to vector<16xi32>
      %select_n3A_182 = arith.select %gt3A_173, %broadcast_in_dim3A_180, %broadcast_in_dim3A_181 : vector<16xi1>, vector<16xi32>
      %add3A_183 = arith.addi %sub3A_165, %select_n3A_182 : vector<16xi32>
      %sub3A_184 = arith.constant 1.000000e+00 : f32
      %sub3A_185 = vector.broadcast %sub3A_184 : f32 to vector<16xf32>
      %sub3A_186 = arith.subf %select_n3A_177, %sub3A_185 : vector<16xf32>
      %add3A_187 = arith.constant 1.000000e+00 : f32
      %add3A_188 = vector.broadcast %add3A_187 : f32 to vector<16xf32>
      %add3A_189 = arith.addf %select_n3A_177, %add3A_188 : vector<16xf32>
      %div3A = arith.divf %sub3A_186, %add3A_189 : vector<16xf32>
      %mul3A_190 = arith.mulf %div3A, %div3A : vector<16xf32>
      %mul3A_191 = arith.constant 2.000000e+00 : f32
      %mul3A_192 = vector.broadcast %mul3A_191 : f32 to vector<16xf32>
      %mul3A_193 = arith.mulf %mul3A_192, %div3A : vector<16xf32>
      %mul3A_194 = arith.constant 0.111111112 : f32
      %mul3A_195 = vector.broadcast %mul3A_194 : f32 to vector<16xf32>
      %mul3A_196 = arith.mulf %mul3A_190, %mul3A_195 : vector<16xf32>
      %add3A_197 = arith.constant 0.142857134 : f32
      %add3A_198 = vector.broadcast %add3A_197 : f32 to vector<16xf32>
      %add3A_199 = arith.addf %add3A_198, %mul3A_196 : vector<16xf32>
      %mul3A_200 = arith.mulf %mul3A_190, %add3A_199 : vector<16xf32>
      %add3A_201 = arith.constant 2.000000e-01 : f32
      %add3A_202 = vector.broadcast %add3A_201 : f32 to vector<16xf32>
      %add3A_203 = arith.addf %add3A_202, %mul3A_200 : vector<16xf32>
      %mul3A_204 = arith.mulf %mul3A_190, %add3A_203 : vector<16xf32>
      %add3A_205 = arith.constant 0.333333343 : f32
      %add3A_206 = vector.broadcast %add3A_205 : f32 to vector<16xf32>
      %add3A_207 = arith.addf %add3A_206, %mul3A_204 : vector<16xf32>
      %mul3A_208 = arith.mulf %mul3A_190, %add3A_207 : vector<16xf32>
      %add3A_209 = arith.constant 1.000000e+00 : f32
      %add3A_210 = vector.broadcast %add3A_209 : f32 to vector<16xf32>
      %add3A_211 = arith.addf %add3A_210, %mul3A_208 : vector<16xf32>
      %mul3A_212 = arith.mulf %mul3A_193, %add3A_211 : vector<16xf32>
      %convert_element_type3A_213 = arith.sitofp %add3A_183 : vector<16xi32> to vector<16xf32>
      %mul3A_214 = arith.constant 0.693147182 : f32
      %mul3A_215 = vector.broadcast %mul3A_214 : f32 to vector<16xf32>
      %mul3A_216 = arith.mulf %convert_element_type3A_213, %mul3A_215 : vector<16xf32>
      %add3A_217 = arith.addf %mul3A_216, %mul3A_212 : vector<16xf32>
      %swap3A = arith.constant 0 : index
      %swap3A_218 = tpu.vector_load %arg9[%swap3A] {strides = array<i32>} : memref<16xi32, #tpu.memory_space<vmem>>, vector<16xi32>,
      tpu.vector_store %arg9[%swap3A], %select_n3A_130 {strides = array<i32>} : memref<16xi32, #tpu.memory_space<vmem>>, vector<16xi32>,
      %sub3A_219 = arith.subf %select_n3A_131, %add3A_217 : vector<16xf32>
      %swap3A_220 = arith.constant 0 : index
      %swap3A_221 = tpu.vector_load %arg10[%swap3A_220] {strides = array<i32>} : memref<16xf32, #tpu.memory_space<vmem>>, vector<16xf32>,
      tpu.vector_store %arg10[%swap3A_220], %sub3A_219 {strides = array<i32>} : memref<16xf32, #tpu.memory_space<vmem>>, vector<16xf32>,
      %div3A_222 = arith.divf %add3A_160, %add3A_158 : vector<16xf32>
      %sub3A_223 = arith.subf %add3A_217, %div3A_222 : vector<16xf32>
      %swap3A_224 = arith.constant 0 : index
      %swap3A_225 = tpu.vector_load %arg11[%swap3A_224] {strides = array<i32>} : memref<16xf32, #tpu.memory_space<vmem>>, vector<16xf32>,
      tpu.vector_store %arg11[%swap3A_224], %sub3A_223 {strides = array<i32>} : memref<16xf32, #tpu.memory_space<vmem>>, vector<16xf32>,
      %mul3A_226 = arith.constant 16 : i32
      %mul3A_227 = arith.muli %add3A, %mul3A_226 : i32
      "tpu.region"() ({
        %run_scoped3A = tpu.sem_alloc : memref<!tpu.dma_semaphore, #tpu.memory_space<semaphore_mem>>
        %dma_start3A = tpu.memref_slice %arg4[%mul3A_227] : memref<64xi32, #tpu.memory_space<hbm>> -> memref<16xi32, #tpu.memory_space<hbm>>
        %dma_start3A_228 = tpu.memref_slice %arg4[%mul3A_227] : memref<64xi32, #tpu.memory_space<hbm>> -> memref<16xi32, #tpu.memory_space<hbm>>
        tpu.enqueue_dma source(%arg9 : memref<16xi32, #tpu.memory_space<vmem>>) target(%dma_start3A_228 : memref<16xi32, #tpu.memory_space<hbm>>) target_semaphore(%run_scoped3A : memref<!tpu.dma_semaphore, #tpu.memory_space<semaphore_mem>>)
        %dma_wait3A = tpu.memref_slice %arg4[%mul3A_227] : memref<64xi32, #tpu.memory_space<hbm>> -> memref<16xi32, #tpu.memory_space<hbm>>
        %dma_wait3A_229 = tpu.memref_slice %arg4[%mul3A_227] : memref<64xi32, #tpu.memory_space<hbm>> -> memref<16xi32, #tpu.memory_space<hbm>>
        tpu.wait_dma2 semaphore(%run_scoped3A : memref<!tpu.dma_semaphore, #tpu.memory_space<semaphore_mem>>) src(%arg9 : memref<16xi32, #tpu.memory_space<vmem>>) dst(%dma_wait3A_229 : memref<16xi32, #tpu.memory_space<hbm>>)
        tpu.yield
      }) : () -> ()
      "tpu.region"() ({
        %run_scoped3A = tpu.sem_alloc : memref<!tpu.dma_semaphore, #tpu.memory_space<semaphore_mem>>
        %dma_start3A = tpu.memref_slice %arg5[%mul3A_227] : memref<64xf32, #tpu.memory_space<hbm>> -> memref<16xf32, #tpu.memory_space<hbm>>
        %dma_start3A_228 = tpu.memref_slice %arg5[%mul3A_227] : memref<64xf32, #tpu.memory_space<hbm>> -> memref<16xf32, #tpu.memory_space<hbm>>
        tpu.enqueue_dma source(%arg10 : memref<16xf32, #tpu.memory_space<vmem>>) target(%dma_start3A_228 : memref<16xf32, #tpu.memory_space<hbm>>) target_semaphore(%run_scoped3A : memref<!tpu.dma_semaphore, #tpu.memory_space<semaphore_mem>>)
        %dma_wait3A = tpu.memref_slice %arg5[%mul3A_227] : memref<64xf32, #tpu.memory_space<hbm>> -> memref<16xf32, #tpu.memory_space<hbm>>
        %dma_wait3A_229 = tpu.memref_slice %arg5[%mul3A_227] : memref<64xf32, #tpu.memory_space<hbm>> -> memref<16xf32, #tpu.memory_space<hbm>>
        tpu.wait_dma2 semaphore(%run_scoped3A : memref<!tpu.dma_semaphore, #tpu.memory_space<semaphore_mem>>) src(%arg10 : memref<16xf32, #tpu.memory_space<vmem>>) dst(%dma_wait3A_229 : memref<16xf32, #tpu.memory_space<hbm>>)
        tpu.yield
      }) : () -> ()
      "tpu.region"() ({
        %run_scoped3A = tpu.sem_alloc : memref<!tpu.dma_semaphore, #tpu.memory_space<semaphore_mem>>
        %dma_start3A = tpu.memref_slice %arg6[%mul3A_227] : memref<64xf32, #tpu.memory_space<hbm>> -> memref<16xf32, #tpu.memory_space<hbm>>
        %dma_start3A_228 = tpu.memref_slice %arg6[%mul3A_227] : memref<64xf32, #tpu.memory_space<hbm>> -> memref<16xf32, #tpu.memory_space<hbm>>
        tpu.enqueue_dma source(%arg11 : memref<16xf32, #tpu.memory_space<vmem>>) target(%dma_start3A_228 : memref<16xf32, #tpu.memory_space<hbm>>) target_semaphore(%run_scoped3A : memref<!tpu.dma_semaphore, #tpu.memory_space<semaphore_mem>>)
        %dma_wait3A = tpu.memref_slice %arg6[%mul3A_227] : memref<64xf32, #tpu.memory_space<hbm>> -> memref<16xf32, #tpu.memory_space<hbm>>
        %dma_wait3A_229 = tpu.memref_slice %arg6[%mul3A_227] : memref<64xf32, #tpu.memory_space<hbm>> -> memref<16xf32, #tpu.memory_space<hbm>>
        tpu.wait_dma2 semaphore(%run_scoped3A : memref<!tpu.dma_semaphore, #tpu.memory_space<semaphore_mem>>) src(%arg11 : memref<16xf32, #tpu.memory_space<vmem>>) dst(%dma_wait3A_229 : memref<16xf32, #tpu.memory_space<hbm>>)
        tpu.yield
      }) : () -> ()
    } else {
    }
    return
  }
}

</mosaic_0001>

<sc_bundles>
// kernel: kernel.3.cloned.1.call-start
scs
__scs_entry_jumppad:
0x0: {  	(pc) =	sbr.rel $0x88, $3  }
0x1: {  	(tag) =	ssettag $0x0;
	lr =	simm.s32 $0x1  }
0x2: {  	[smem:$0x3F9F] =	sst lr;
	_ =	strace $0xD0000000  }
0x3: {  	_ = 	snop  }
0x4: {  	_ = 	snop  }
0x5: {  	_ = 	snop  }
0x6: {  	_ = 	snop  }
0x7: {  	_ = 	snop  }
__scs_overlays_trampoline_lowered:
0x8: {  	[smem:$0x3FAE] =	sst s0  }
0x9: {  	[smem:$0x3FAF] =	sst s1  }
0xa: {  	[smem:$0x3FB0] =	sst s2  }
0xb: {  	[smem:$0x3FB1] =	sst s3  }
0xc: {  	[smem:$0x3FB2] =	sst s4  }
0xd: {  	[smem:$0x3FB3] =	sst s5  }
0xe: {  	[smem:$0x3FB4] =	sst s6  }
0xf: {  	[smem:$0x3FB5] =	sst s7  }
0x10: {  	[smem:$0x3FB6] =	sst s8  }
0x11: {  	[smem:$0x3FB7] =	sst s9;
	s0 =	simm.s32 @!p0 $0x0  }
0x12: {  	s1 =	sld [smem:$0x3F9D];
	s0 =	simm.s32 @p0 $0x1  }
0x13: {  	[smem:$0x3FB8] =	sst s0;
	s0 =	simm.s32 @!p1 $0x0  }
0x14: {  	s2 =	sld [smem:$0x3F9C];
	s0 =	simm.s32 @p1 $0x1  }
0x15: {  	[smem:$0x3FB9] =	sst s0;
	s0 =	simm.s32 @!p2 $0x0  }
0x16: {  	s3 =	sld [smem:$0x3FDB];
	s0 =	simm.s32 @p2 $0x1  }
0x17: {  	s4 =	simm.s32 $0x1BF5;
	[smem:$0x3FBB] =	sst s0  }
0x18: {  	s0 =	sld [smem:$0x3F9E];
	_ =	swait.ge [sflag:s4], $0x0  }
0x19: {  	s7 =	sld [smem:$0x3F9F]  }
0x1a: {  	s8 =	sadd.s32 $0xFFFFE003, lr  }
0x1b: {  	s9 =	sadd.s32 $0xFFFFFEF7, lr;
	s5 =	simm.s32 $0xFFFFFFFF;
	p2 =	slt.u32 s8, $0xFFFFF086  }
0x1c: {  	p1 =	slt.u32 s9, $0xF7A;
	s5 =	simm.s32 @!p2 $0x0  }
0x1d: {  	s5 =	simm.s32 @p1 $0x1;
	p0 =	seq.s32 s7, s2  }
0x1e: {  	s7 =	smul.u32 @!p0 $0xF7A, s2;
	p2 =	seq.s32 @!p0 s5, $0x0  }
0x1f: {  	s9 =	smul.u32 $0xF7A, s1;
	s8 =	simm.s32 @!p0 $0x1BF5;
	p2 =	por !p2, p0  }
0x20: {  	[sflag:s8] =	ssyncset.s32 @!p0 $0xFFFFF086;
	s6 =	sadd.s32 @!p0 s3, s7;
	s7 =	simm.s32 @!p0 $0x108  }
0x21: {  	s3 =	sadd.s32 s3, s9;
	s6 =	sadd.s32 @!p0 $0x88, s6;
	s7 =	simm.s32 @p2 $0x1082  }
0x22: {  	[simem:s7], [sflag:s8] =	dma.local @!p0 [hbm:s6], $0xF7A  }
0x23: {  	s9 =	sor.u32 $0xD0000000, s2;
	s6 =	simm.s32 $0x108;
	_ =	swait.ge @!p0 [sflag:s8], $0x0  }
0x24: {  	s3 =	sadd.s32 $0x88, s3;
	s6 =	simm.s32 @!p1 $0x1082;
	[sflag:s4] =	ssyncset.s32 $0xFFFFF086  }
0x25: {  	[simem:s6], [sflag:s4] =	dma.local [hbm:s3], $0xF7A  }
0x26: {  	[smem:$0x3F9F] =	sst s1;
	(tag) =	ssettag s2;
	_ =	strace s9  }
0x27: {  	s1 =	sld [smem:$0x3FAF]  }
0x28: {  	s2 =	sld [smem:$0x3FB0]  }
0x29: {  	s4 =	sld [smem:$0x3FB2]  }
0x2a: {  	p0 =	seq.s32 s5, $0x0;
	s5 =	sld [smem:$0x3FB3]  }
0x2b: {  	s6 =	sld [smem:$0x3FB4]  }
0x2c: {  	s7 =	sld [smem:$0x3FB5]  }
0x2d: {  	s3 =	simm.s32 $0x108;
	s8 =	sld [smem:$0x3FB6]  }
0x2e: {  	s3 =	simm.s32 @!p0 $0x1082;
	s9 =	sld [smem:$0x3FB7]  }
0x2f: {  	lr =	sadd.s32 s0, s3;
	s0 =	sld [smem:$0x3FAE]  }
0x30: {  	s3 =	sld [smem:$0x3FB1]  }
0x31: {  	[smem:$0x3FBA] =	sst s10  }
0x32: {  	s10 =	sld [smem:$0x3FB8];
	_ =	sdelay $0x3  }
0x33: {  	p0 =	seq.s32 s10, $0x1;
	s10 =	sld [smem:$0x3FBA];
	_ =	sdelay $0x3  }
0x34: {  	[smem:$0x3FBA] =	sst s10  }
0x35: {  	s10 =	sld [smem:$0x3FB9];
	_ =	sdelay $0x3  }
0x36: {  	p1 =	seq.s32 s10, $0x1;
	s10 =	sld [smem:$0x3FBA];
	_ =	sdelay $0x3  }
0x37: {  	[smem:$0x3FBA] =	sst s10  }
0x38: {  	s10 =	sld [smem:$0x3FBB]  }
0x39: {  	_ = 	snop;
	(pc) =	sbr.ind lr, $3  }
0x3a: {  	_ = 	snop  }
0x3b: {  	_ = 	snop  }
0x3c: {  	p2 =	seq.s32 s10, $0x1;
	s10 =	sld [smem:$0x3FBA]  }
0x3d: {  	_ =	shalt  }
0x3e: {  	_ =	shalt  }
0x3f: {  	_ =	shalt  }
0x40: {  	_ =	shalt  }
0x41: {  	_ =	shalt  }
0x42: {  	_ =	shalt  }
0x43: {  	_ =	shalt  }
0x44: {  	_ =	shalt  }
0x45: {  	_ =	shalt  }
0x46: {  	_ =	shalt  }
0x47: {  	_ =	shalt  }
0x48: {  	_ =	shalt  }
0x49: {  	_ =	shalt  }
0x4a: {  	_ =	shalt  }
0x4b: {  	_ =	shalt  }
0x4c: {  	_ =	shalt  }
0x4d: {  	_ =	shalt  }
0x4e: {  	_ =	shalt  }
0x4f: {  	_ =	shalt  }
0x50: {  	_ =	shalt  }
0x51: {  	_ =	shalt  }
0x52: {  	_ =	shalt  }
0x53: {  	_ =	shalt  }
0x54: {  	_ =	shalt  }
0x55: {  	_ =	shalt  }
0x56: {  	_ =	shalt  }
0x57: {  	_ =	shalt  }
0x58: {  	_ =	shalt  }
0x59: {  	_ =	shalt  }
0x5a: {  	_ =	shalt  }
0x5b: {  	_ =	shalt  }
0x5c: {  	_ =	shalt  }
0x5d: {  	_ =	shalt  }
0x5e: {  	_ =	shalt  }
0x5f: {  	_ =	shalt  }
0x60: {  	_ =	shalt  }
0x61: {  	_ =	shalt  }
0x62: {  	_ =	shalt  }
0x63: {  	_ =	shalt  }
0x64: {  	_ =	shalt  }
0x65: {  	_ =	shalt  }
0x66: {  	_ =	shalt  }
0x67: {  	_ =	shalt  }
0x68: {  	_ =	shalt  }
0x69: {  	_ =	shalt  }
0x6a: {  	_ =	shalt  }
0x6b: {  	_ =	shalt  }
0x6c: {  	_ =	shalt  }
0x6d: {  	_ =	shalt  }
0x6e: {  	_ =	shalt  }
0x6f: {  	_ =	shalt  }
0x70: {  	_ =	shalt  }
0x71: {  	_ =	shalt  }
0x72: {  	_ =	shalt  }
0x73: {  	_ =	shalt  }
0x74: {  	_ =	shalt  }
0x75: {  	_ =	shalt  }
0x76: {  	_ =	shalt  }
0x77: {  	_ =	shalt  }
0x78: {  	_ =	shalt  }
0x79: {  	_ =	shalt  }
0x7a: {  	_ =	shalt  }
0x7b: {  	_ =	shalt  }
0x7c: {  	_ =	shalt  }
0x7d: {  	_ =	shalt  }
0x7e: {  	_ =	shalt  }
0x7f: {  	_ =	shalt  }
0x80: {  	_ =	shalt  }
0x81: {  	_ =	shalt  }
0x82: {  	_ =	shalt  }
0x83: {  	_ =	shalt  }
0x84: {  	_ =	shalt  }
0x85: {  	_ =	shalt  }
0x86: {  	_ =	shalt  }
0x87: {  	_ =	shalt  }
.Lfunc_end0:
.L_simem_size_0:
called_computation_lowered:
.L_overlay_start_0:
0x88: {  	s2 =	sld [smem:$0x3FD9]  }
0x89: {  	s3 =	sld [smem:$0x3FFE];
	_ =	sdelay $0x1  }
0x8a: {  	s1 =	srdreg.scid  }
0x8b: {  	s0 =	sand.u32 $0x1, s1  }
0x8c: {  	s14 =	sshll.u32 s0, $0xA;
	s2 =	sadd.s32 s3, s2  }
0x8d: {  	s2 =	sadd.s32 s2, s14  }
0x8e: {  	[smem:$0x3FC6] =	sst s2  }
0x8f: {  	_ = 	snop  }
0x90: {  	s2 =	sld [smem:$0x3FD0];
	_ =	sdelay $0x2  }
0x91: {  	s15 =	simm.s32 $0xA;
	s4 =	simm.s32 $0x10  }
0x92: {  	[smem:s4], [sflag:s15] =	dma.local [hbm:s2], $0x1  }
0x93: {  	_ =	swait.eq [sflag:s15], $0x1  }
0x94: {  	s16 =	sld [smem:$0x10];
	[sflag:s15] =	ssyncset.done $0x0  }
0x95: {  	s17 =	sld [smem:$0x11];
	[sflag:s15] =	ssyncadd.s32 $0xFFFFFFFF  }
0x96: {  	s18 =	sld [smem:$0x12];
	(tm) =	ssettm $0x1  }
0x97: {  	s5 =	sld [smem:$0x3FFB];
	_ =	sdelay $0x3  }
0x98: {  	_ =	strace s5  }
0x99: {  	s5 =	sld [smem:$0x3FFC];
	_ =	sdelay $0x3  }
0x9a: {  	_ =	strace s5  }
0x9b: {  	s5 =	sld [smem:$0x3FFD];
	_ =	sdelay $0x3  }
0x9c: {  	_ =	strace s5  }
0x9d: {  	_ =	strace $0x8FFFFFFF  }
0x9e: {  	s19 =	sld [smem:$0x3FDB];
	_ =	sdelay $0x1  }
0x9f: {  	s6 =	simm.s32 $_scs_section_size  }
0xa0: {  	s7 =	simm.s32 $_size__tile_overlayer_lowered;
	s8 =	simm.s32 $_tile_overlayer_lowered  }
0xa1: {  	s22 =	simm.s32 $0x1BFF;
	s21 =	sshll.u32 s8, $0x1;
	s5 =	sadd.s32 s6, s19  }
0xa2: {  	s9 =	simm.s32 $0x0;
	s20 =	sshll.u32 s7, $0x1;
	s7 =	sadd.s32 s21, s5  }
0xa3: {  	[timem:s9], [sflag:s22] =	dma.local [hbm:s7], s20  }
0xa4: {  	_ =	swait.ge [sflag:s22], s20  }
0xa5: {  	s6 =	ssub.s32 $0x0, s20;
	[sflag:s22] =	ssyncset.done $0x0  }
0xa6: {  	[sflag:s22] =	ssyncadd.s32 s6;
	_ =	sdelay $0x1  }
0xa7: {  	s23 =	simm.s32 $0x1B8B  }
0xa8: {  	_ =	swait.ge [sflag:s23], $0x1  }
0xa9: {  	[sflag:s23] =	ssyncset.done $0x0  }
0xaa: {  	s25 =	simm.s32 $0x1B8E;
	s24 =	sld [smem:$0x3FFE];
	[sflag:s23] =	ssyncadd.s32 $0xFFFFFFFF  }
0xab: {  	s26 =	simm.s32 $execute0_lowered;
	[smem:$0x3FD2] =	sst s25  }
0xac: {  	s7 =	sshll.u32 s26, $0x1;
	_ =	strace $0x80000046;
	[dreg:$0x1] =	wrdreg $0xFFFFFFFF  }
0xad: {  	s28 =	simm.s32 $_size_execute0_lowered;
	s5 =	sadd.s32 s5, s7;
	[dreg:$0x0] =	wrdreg $0x0  }
0xae: {  	s7 =	sshll.u32 s28, $0x1;
	[dreg:$0x2] =	wrdreg s5  }
0xaf: {  	[dreg:$0x3] =	wrdreg s7  }
0xb0: {  	[dreg:$0x4] =	wrdreg $0xC0  }
0xb1: {  	_ =	task [dreg:s9], $0x5FFFF  }
0xb2: {  	[dreg:$0x1] =	wrdreg $0xFFFFFFFF  }
0xb3: {  	[dreg:$0x0] =	wrdreg $0x60  }
0xb4: {  	[dreg:$0x2] =	wrdreg s24  }
0xb5: {  	[dreg:$0x3] =	wrdreg s16  }
0xb6: {  	[dreg:$0x4] =	wrdreg s17  }
0xb7: {  	[dreg:$0x5] =	wrdreg s18  }
0xb8: {  	[dreg:$0x6] =	wrdreg $0x9  }
0xb9: {  	_ =	task.clear_ibuf [dreg:s9], $0x7FFFF;
	_ =	strace $0x90000046  }
0xba: {  	s29 =	simm.s32 $0x9;
	_ =	strace $0x80000048  }
0xbb: {  	_ =	swait.ge [sflag:s29], $0x1  }
0xbc: {  	[sflag:s29] =	ssyncadd.s32 $0xFFFFFFFF  }
0xbd: {  	_ =	strace $0x90000048  }
0xbe: {  	_ =	sfence  }
0xbf: {  	s30 =	sld [smem:$0x0];
	_ =	sdelay $0x2  }
0xc0: {  	s31 =	sshll.u32 s1, $0xD;
	s1 =	sshrl.u32 s1, $0x2  }
0xc1: {  	s3 =	sand.u32 $0x4000, s31;
	s1 =	sadd.s32 s1, s30  }
0xc2: {  	s0 =	sor.u32 s3, s0;
	s1 =	sshll.u32 s1, $0x11  }
0xc3: {  	s0 =	sor.u32 s1, s0  }
0xc4: {  	s0 =	sadd.s32 $0x8F2B, s0  }
0xc5: {  	[sflag:s0] =	ssyncadd.remote.s32 $0x1  }
0xc6: {  	_ =	sfence.sel $0xFFFF  }
0xc7: {  	[dreg:$0x0] =	wrdreg $0xFFFFFFFF;
	(pc) =	sbr.abs _section_cstart, $3  }
0xc8: {  	[dreg:$0x1] =	wrdreg $0xFFFFFFFF  }
0xc9: {  	_ =	task.clear_ibuf [dreg:s9], $0x2FFFF;
	_ =	strace $0x9FFFFFFF  }
0xca: {  	(tm) =	ssettm $0x7FFFFFFF  }
0xcb: {  	_ =	shalt  }
tec
execute0_lowered:
.L_overlay_start_1:
0x0: {  	(tag) =	ssettag $0x1  }
0x1: {  	s1 =	stileid.u32  }
0x2: {  	s3 =	rddreg [dreg:$0x0];
	p0 =	sgt.u32 s1, $0x1  }
.Ltmp0:
0x3: {  	s4 =	rddreg [dreg:$0x1];
	(pc) =	sbr.rel @p0 .LBB2_3-.Ltmp0, $4  }
0x4: {  	s5 =	rddreg [dreg:$0x2]  }
0x5: {  	s6 =	rddreg [dreg:$0x3];
	s2 =	simm.s32 $0x0  }
0x6: {  	[smem:$0x7FF] =	sst s2  }
0x7: {  	s0 =	rddreg [dreg:$0x4];
	_ =	strace $0x80000047  }
0x8: {  	s7 =	srdreg.scid  }
0x9: {  	s8 =	sshll.u32 s1, $0x1;
	s10 =	sadd.s32 $0xA00, s3;
	s7 =	sand.u32 $0x1, s7  }
0xa: {  	v0 =	vlaneseq.u32;
	s12 =	simm.s32 $0x180;
	s13 =	simm.s32 $0x200;
	s8 =	sor.u32 s7, s8  }
0xb: {  	v0 =	vmul.u32 $0x8, v0;
	s7 =	ssub.s32 $0x2, s7;
	s9 =	sshll.u32 s8, $0x4;
	s8 =	sshll.u32 s8, $0x1  }
0xc: {  	s11 =	sshrl.u32 s7, $0x1;
	s30 =	sadd.s32 s9, s3;
	s4 =	sadd.s32 s4, s8  }
0xd: {  	v8 =	vimm.s32 $0x0;
	v1 =	vor.u32 $0x1, v0;
	s5 =	sadd.s32 s5, s8;
	s6 =	sadd.s32 s6, s8;
	s31 =	ssub.s32 s7, s11  }
0xe: {  	v2 =	vor.u32 $0x2, v0;
	v3 =	vor.u32 $0x3, v0;
	v4 =	vor.u32 $0x4, v0;
	s7 =	sadd.s32 s10, s9;
	s9 =	simm.s32 $0x1;
	s10 =	simm.s32 $0x80  }
0xf: {  	v5 =	vor.u32 $0x5, v0;
	v6 =	vor.u32 $0x6, v0;
	v7 =	vor.u32 $0x7, v0;
	s11 =	simm.s32 $0x100;
	s3 =	sadd.s32 $0xC00, s30;
	s8 =	smax.u32 s31, $0x1  }
.LBB2_2:
0x10: {  	[tilespmem:s2], [sflag:$0x1] =	stream.linear.gather [hbm4b:s7+s2], $0x80, $0x38;
	[tilespmem:$0x280] =	vst v63  }
0x11: {  	_ =	swait.ge [sflag:s9], $0x80  }
0x12: {  	[sflag:s9] =	ssyncset.done $0x0  }
0x13: {  	[sflag:s9] =	ssyncadd.s32 $0xFFFFFF80  }
0x14: {  	[tilespmem:s10], [sflag:$0x1] =	stream.linear.gather [hbm4b:s3+s2], $0x80, $0x38;
	[tilespmem:$0x280] =	vst v63  }
0x15: {  	_ =	swait.ge [sflag:s9], $0x80  }
0x16: {  	[sflag:s9] =	ssyncset.done $0x0  }
0x17: {  	[sflag:s9] =	ssyncadd.s32 $0xFFFFFF80  }
0x18: {  	v9 =	vld.idx.msk [tilespmem:v0+s2+$0x0], $0xffff  }
0x19: {  	v10 =	vld.idx.msk [tilespmem:v1+s2+$0x0], $0xffff  }
0x1a: {  	v11 =	vld.idx.msk [tilespmem:v2+s2+$0x0], $0xffff  }
0x1b: {  	v12 =	vld.idx.msk [tilespmem:v3+s2+$0x0], $0xffff  }
0x1c: {  	v13 =	vld.idx.msk [tilespmem:v4+s2+$0x0], $0xffff  }
0x1d: {  	v14 =	vld.idx.msk [tilespmem:v5+s2+$0x0], $0xffff  }
0x1e: {  	v15 =	vld.idx.msk [tilespmem:v6+s2+$0x0], $0xffff;
	v16 =	vmax.f32 v9, v10  }
0x1f: {  	v17 =	vld.idx.msk [tilespmem:v7+s2+$0x0], $0xffff;
	v16 =	vmax.f32 v16, v11  }
0x20: {  	v16 =	vmax.f32 v16, v12  }
0x21: {  	v16 =	vmax.f32 v16, v13  }
0x22: {  	v16 =	vmax.f32 v16, v14  }
0x23: {  	v16 =	vmax.f32 v16, v15  }
0x24: {  	v16 =	vmax.f32 v16, v17  }
0x25: {  	v18 =	vsub.f32 v9, v16  }
0x26: {  	v19 =	vsub.f32 v10, v16  }
0x27: {  	v20 =	vmul.f32 $1.442695020e+00, v18  }
0x28: {  	v21 =	vsub.f32 v11, v16;
	v22 =	vmul.f32 $1.442695020e+00, v19  }
0x29: {  	(erf) = vpow2.f32 v20  }
0x2a: {  	v51 =	vsub.f32 v12, v16;
	v52 =	vmul.f32 $1.442695020e+00, v21;
	(erf) = vpow2.f32 v22;
	_ =	sdelay $0x1  }
0x2b: {  	v23 =	vsub.f32 v13, v16;
	v53 =	vmul.f32 $1.442695020e+00, v51;
	(erf) = vpow2.f32 v52;
	_ =	sdelay $0x1  }
0x2c: {  	v24 =	vsub.f32 v14, v16;
	v54 =	vmul.f32 $1.442695020e+00, v23;
	(erf) = vpow2.f32 v53;
	_ =	sdelay $0x1  }
0x2d: {  	v25 =	vsub.f32 v15, v16;
	v55 =	vmul.f32 $1.442695020e+00, v24;
	(erf) = vpow2.f32 v54;
	_ =	sdelay $0x1  }
0x2e: {  	v16 =	vsub.f32 v17, v16;
	v56 =	vmul.f32 $1.442695020e+00, v25;
	v26 =	vpop (erf);
	(erf) = vpow2.f32 v55  }
0x2f: {  	v27 =	vpop (erf)  }
0x30: {  	v57 =	vmul.f32 $1.442695020e+00, v16;
	(erf) = vpow2.f32 v56;
	v28 =	vadd.f32 v27, v26  }
0x31: {  	v29 =	vpop (erf)  }
0x32: {  	(erf) = vpow2.f32 v57;
	v58 =	vadd.f32 v28, v29  }
0x33: {  	v59 =	vpop (erf)  }
0x34: {  	v22 =	vadd.f32 v58, v59  }
0x35: {  	v30 =	vpop (erf)  }
0x36: {  	v22 =	vadd.f32 v22, v30  }
0x37: {  	v31 =	vpop (erf)  }
0x38: {  	v22 =	vadd.f32 v22, v31  }
0x39: {  	v32 =	vpop (erf)  }
0x3a: {  	v22 =	vadd.f32 v22, v32  }
0x3b: {  	v33 =	vpop (erf)  }
0x3c: {  	v22 =	vadd.f32 v22, v33;
	_ =	sdelay $0x1  }
0x3d: {  	v34 =	vand.u32 $0x7FFFFF, v22  }
0x3e: {  	v34 =	vor.u32 $0x3F800000, v34  }
0x3f: {  	v35 =	vmul.f32 $5.000000000e-01, v34  }
0x40: {  	vm0 =	vgt.f32 v34, $1.414213540e+00  }
0x41: {  	v34 =	vsel vm0, v35, v34  }
0x42: {  	v35 =	vadd.f32 $1.000000000e+00, v34;
	_ =	sdelay $0x1  }
0x43: {  	(erf) = vrcp.f32 v35;
	_ =	sdelay $0x2  }
0x44: {  	v60 =	vld.idx.msk [tilespmem:v0+s10+$0x0], $0xffff  }
0x45: {  	v36 =	vld.idx.msk [tilespmem:v1+s10+$0x0], $0xffff;
	_ =	sdelay $0x1  }
0x46: {  	v37 =	vld.idx.msk [tilespmem:v2+s10+$0x0], $0xffff;
	_ =	sdelay $0x1  }
0x47: {  	v34 =	vadd.f32 $-1.000000000e+00, v34  }
0x48: {  	v61 =	vld.idx.msk [tilespmem:v3+s10+$0x0], $0xffff;
	v9 =	vadd.f32 v60, v9;
	v10 =	vadd.f32 v36, v10;
	v62 =	vpop (erf)  }
0x49: {  	v34 =	vmul.f32 v62, v34  }
0x4a: {  	v11 =	vadd.f32 v37, v11;
	vm1 =	vgt.f32 v10, v9  }
0x4b: {  	v63 =	vld.idx.msk [tilespmem:v4+s10+$0x0], $0xffff;
	v9 =	vsel vm1, v10, v9;
	v10 =	vmul.f32 v34, v34  }
0x4c: {  	vm2 =	vgt.f32 v11, v9  }
0x4d: {  	v9 =	vsel vm2, v11, v9;
	v11 =	vadd.f32 v61, v12;
	v41 =	vmul.f32 $1.111111120e-01, v10;
	_ =	sdelay $0x1  }
0x4e: {  	v39 =	vld.idx.msk [tilespmem:v5+s10+$0x0], $0xffff;
	v40 =	vsel vm1, v19, v18;
	vm11 =	vgt.f32 v11, v9;
	v43 =	vadd.f32 $1.428571340e-01, v41  }
0x4f: {  	v9 =	vsel vm11, v11, v9;
	v11 =	vadd.f32 v63, v13;
	v18 =	vmul.f32 v26, v18  }
0x50: {  	v49 =	vld.idx.msk [tilespmem:v6+s10+$0x0], $0xffff;
	v19 =	vmul.f32 v27, v19;
	v13 =	vmul.f32 v43, v10  }
0x51: {  	v42 =	vsel vm1, $0x1, v8;
	v44 =	vsel vm2, v21, v40;
	vm12 =	vgt.f32 v11, v9  }
0x52: {  	v21 =	vmul.f32 v29, v21;
	v18 =	vadd.f32 v19, v18;
	v13 =	vadd.f32 $2.000000030e-01, v13  }
0x53: {  	v45 =	vsel vm2, $0x2, v42;
	v9 =	vsel vm12, v11, v9;
	v11 =	vadd.f32 v39, v14  }
0x54: {  	v48 =	vmul.f32 v59, v51;
	v46 =	vadd.f32 v18, v21;
	v13 =	vmul.f32 v13, v10  }
0x55: {  	v15 =	vadd.f32 v49, v15;
	v47 =	vsel vm11, $0x3, v45;
	vm13 =	vgt.f32 v11, v9  }
0x56: {  	v50 =	vmul.f32 v30, v23;
	v12 =	vadd.f32 v46, v48;
	v13 =	vadd.f32 $3.333333430e-01, v13  }
0x57: {  	v14 =	vsel vm12, $0x4, v47;
	v9 =	vsel vm13, v11, v9;
	(erf) = vrcp.f32 v22  }
0x58: {  	v19 =	vsel vm11, v51, v44;
	v12 =	vadd.f32 v12, v50;
	v10 =	vmul.f32 v13, v10  }
0x59: {  	v51 =	vld.idx.msk [tilespmem:v7+s10+$0x0], $0xffff;
	v52 =	vmul.f32 v31, v24;
	v53 =	vshrl.u32 v22, $0x17;
	v54 =	vsel vm0, $0x1, v8  }
0x5a: {  	v55 =	vadd.s32 v54, v53;
	v58 =	vadd.f32 v34, v34;
	v10 =	vadd.f32 $1.000000000e+00, v10  }
0x5b: {  	v56 =	vmul.f32 v32, v25;
	v12 =	vadd.f32 v12, v52;
	v57 =	vadd.s32 $0xFFFFFF81, v55  }
0x5c: {  	v11 =	vsel vm13, $0x5, v14;
	v18 =	vcvt.s32.f32 v57;
	v10 =	vmul.f32 v10, v58  }
0x5d: {  	vm14 =	vgt.f32 v15, v9;
	v59 =	vmul.f32 v33, v16;
	v12 =	vadd.f32 v12, v56  }
0x5e: {  	v19 =	vsel vm12, v23, v19;
	v14 =	vadd.f32 v51, v17;
	v60 =	vmul.f32 $6.931471820e-01, v18  }
0x5f: {  	v9 =	vsel vm14, v15, v9;
	v61 =	vsel vm13, v24, v19;
	v12 =	vadd.f32 v12, v59  }
0x60: {  	vm15 =	vgt.f32 v14, v9;
	v62 =	vsel vm14, v25, v61;
	v9 =	vadd.f32 v10, v60;
	v10 =	vpop (erf)  }
0x61: {  	v11 =	vsel vm14, $0x6, v11;
	v13 =	vsel vm15, v16, v62;
	v10 =	vmul.f32 v10, v12  }
0x62: {  	v11 =	vsel vm15, $0x7, v11;
	v63 =	vsub.f32 v13, v9  }
0x63: {  	[tilespmem:$0x100] =	vst v11;
	v9 =	vsub.f32 v9, v10  }
0x64: {  	[tilespmem:$0x180] =	vst v63  }
0x65: {  	[tilespmem:$0x200] =	vst v9  }
0x66: {  	[hbm4b:s4+s2] =	stream.linear.scatter [tilespmem:s11], [sflag:$0x1], $0x10, $0x38;
	[tilespmem:$0x280] =	vst v63  }
0x67: {  	_ =	swait.ge [sflag:s9], $0x10  }
0x68: {  	[sflag:s9] =	ssyncset.done $0x0  }
0x69: {  	[sflag:s9] =	ssyncadd.s32 $0xFFFFFFF0  }
0x6a: {  	[hbm4b:s5+s2] =	stream.linear.scatter [tilespmem:s12], [sflag:$0x1], $0x10, $0x38;
	[tilespmem:$0x280] =	vst v63  }
0x6b: {  	_ =	swait.ge [sflag:s9], $0x10  }
0x6c: {  	p0 =	sne.s32 s8, $0x1;
	[sflag:s9] =	ssyncset.done $0x0  }
.Ltmp1:
0x6d: {  	[sflag:s9] =	ssyncadd.s32 $0xFFFFFFF0;
	(pc) =	sbr.rel @p0 .LBB2_2-.Ltmp1, $4  }
0x6e: {  	[hbm4b:s6+s2] =	stream.linear.scatter [tilespmem:s13], [sflag:$0x1], $0x10, $0x38;
	[tilespmem:$0x280] =	vst v63  }
0x6f: {  	_ =	swait.ge [sflag:s9], $0x10  }
0x70: {  	[sflag:s9] =	ssyncset.done $0x0  }
0x71: {  	s8 =	sadd.s32 $0xFFFFFFFF, s8;
	[sflag:s9] =	ssyncadd.s32 $0xFFFFFFF0  }
.LBB2_3:
0x72: {  	_ =	sfence.sel $0x180000  }
0x73: {  	[bflag:$0x0] =	sbarrier.arrive $0xFFFF  }
0x74: {  	p0 =	sne.s32 s1, $0x0;
	_ =	strace $0x90000047  }
0x75: {  	s0 =	sadd.s32 @!p0 $0x100000, s0;
	[bflag:$0x2] =	sbarrier.arrive $0xFFFF  }
0x76: {  	[sflag:s0] =	ssyncadd.tile.s32 @!p0 $0x1;
	_ =	shalt  }
.Lfunc_end2:
_tile_overlayer_lowered:
.L_overlay_start_2:
0x77: {  	(tag) =	ssettag $0x2  }
0x78: {  	s0 =	rddreg [dreg:$0x0];
	s2 =	stileid.u32  }
0x79: {  	s1 =	rddreg [dreg:$0x1];
	p0 =	sne.s32 s2, $0x0  }
0x7a: {  	s3 =	rddreg [dreg:$0x2];
	[bflag:$0x3] =	sbarrier.arrive $0xFFFF;
	s2 =	simm.s32 @!p0 $0x1C01  }
0x7b: {  	[timem:s3], [sflag:s2] =	dma.local @!p0 [hbm:s0], s1  }
0x7c: {  	s0 =	simm.s32 @!p0 $0x1  }
0x7d: {  	_ =	swait.ge @!p0 [sflag:s0], s1  }
0x7e: {  	s1 =	ssub.s32 @!p0 $0x0, s1;
	[sflag:s0] =	ssyncset.done @!p0 $0x0  }
0x7f: {  	[sflag:s0] =	ssyncadd.s32 @!p0 s1  }
0x80: {  	[bflag:$0x3] =	sbarrier.arrive $0xFFFF  }
0x81: {  	_ =	shalt  }

</sc_bundles>
